<compile_context>
chip_gen: v7x
topology: tpu7x:2x2x1
jax: 0.10.2.dev20260603
libtpu: 0.0.44.dev20260713+nightly
codegen_flags: <defaults>
</compile_context>

<pallas_src>
import functools

import jax
import jax.numpy as jnp
from jax import lax
from jax.experimental import pallas as pl
from jax.experimental.pallas import tpu as pltpu
from jax.experimental.pallas import tpu_sc as plsc

N_NODES = 10000
N_EDGES = 320000
D_FEAT = 128
L = 16

NC = 2
NS = 16
NW = NC * NS
EPW = N_EDGES // NW
B = 80
NCH = EPW // B

_mesh = plsc.VectorSubcoreMesh(core_axis_name="c", subcore_axis_name="s")


@functools.partial(
    pl.kernel,
    mesh=_mesh,
    compiler_params=pltpu.CompilerParams(needs_layout_passes=False),
    out_type=jax.ShapeDtypeStruct((N_EDGES,), jnp.float32),
    scratch_types=[
        pltpu.VMEM((EPW,), jnp.int32),
        pltpu.VMEM((EPW,), jnp.int32),
        pltpu.VMEM((B, D_FEAT), jnp.float32),
        pltpu.VMEM((B, D_FEAT), jnp.float32),
        pltpu.VMEM((B * L,), jnp.float32),
        pltpu.VMEM((EPW,), jnp.float32),
        pltpu.SemaphoreType.DMA,
        pltpu.SemaphoreType.DMA,
    ],
)
def _edge_dot(src_hbm, dst_hbm, feat_hbm, out_hbm,
              src_v, dst_v, srows, drows, acc_v, out_v, sem_s, sem_d):
    wid = lax.axis_index("s") * NC + lax.axis_index("c")
    base = wid * EPW

    pltpu.sync_copy(src_hbm.at[pl.ds(base, EPW)], src_v)
    pltpu.sync_copy(dst_hbm.at[pl.ds(base, EPW)], dst_v)

    def chunk_body(c, carry):
        off = c * B
        cp_s = pltpu.async_copy(
            feat_hbm.at[src_v.at[pl.ds(off, B)]], srows, sem_s)
        cp_d = pltpu.async_copy(
            feat_hbm.at[dst_v.at[pl.ds(off, B)]], drows, sem_d)
        cp_s.wait()
        cp_d.wait()

        def edge_body(e, carry2):
            acc = jnp.zeros((L,), jnp.float32)
            for db in range(D_FEAT // L):
                s = srows[e, pl.ds(db * L, L)]
                t = drows[e, pl.ds(db * L, L)]
                acc = acc + s * t
            acc_v[pl.ds(e * L, L)] = acc
            return carry2

        lax.fori_loop(0, B, edge_body, 0)

        def group_body(g, carry2):
            rows = g * L + lax.iota(jnp.int32, L)
            tot = jnp.zeros((L,), jnp.float32)
            for j in range(L):
                tot = tot + plsc.load_gather(acc_v, [rows * L + j])
            out_v[pl.ds(off + g * L, L)] = tot
            return carry2

        lax.fori_loop(0, B // L, group_body, 0)
        return carry

    lax.fori_loop(0, NCH, chunk_body, 0)
    pltpu.sync_copy(out_v, out_hbm.at[pl.ds(base, EPW)])


def kernel(edges, feat):
    src = edges[:, 0].astype(jnp.int32)
    dst = edges[:, 1].astype(jnp.int32)
    out = _edge_dot(src, dst, feat.astype(jnp.float32))
    return out[:, None]

# --- scband reference (transcript-rebuilt; emitter-appended) ---
"""Pipeline reference for scband-batch-dot-pred-27092653703581 (READ-ONLY COPY).

The authoritative reference and input builder live on the scoring server;
editing this copy changes nothing except your own understanding.
"""

import jax, jax.numpy as jnp
import numpy as np

N_NODES = 10000
N_EDGES = 320000
D_FEAT = 128


def setup_inputs(seed: int = 0) -> dict:
    key = jax.random.key(seed)
    k1, k2 = jax.random.split(key)
    edges = jax.random.randint(k1, (N_EDGES, 2), 0, N_NODES)
    feat = jax.random.normal(k2, (N_NODES, D_FEAT), dtype=jnp.float32)
    return {"edges": edges, "feat": feat}


def reference(edges, feat):
    # edges: [E, 2] int; feat: [N, d] float32
    # src_nodes, dst_nodes = edges.transpose(0, 1)
    src_nodes = edges[:, 0]
    dst_nodes = edges[:, 1]
    src_feat = jnp.take(feat, src_nodes, axis=0)  # gather [E, d]
    dst_feat = jnp.take(feat, dst_nodes, axis=0)  # gather [E, d]
    # einsum('ij, ij -> i') then unsqueeze(1)
    out = jnp.einsum('ij,ij->i', src_feat, dst_feat)
    return out[:, None]

if __name__ == "__main__":
    import jax
    _d = setup_inputs()
    print(jax.jit(kernel)(*tuple(_d.values())))

</pallas_src>

<mosaic_0001>
#map = affine_map<(d0, d1) -> (0)>
#map1 = affine_map<(d0, d1) -> (0, 0)>
module attributes {stable_mosaic.version = 14 : i64} {
  func.func @_edge_dot(%arg0: i32, %arg1: i32, %arg2: memref<320000xi32, #tpu.memory_space<hbm>>, %arg3: memref<320000xi32, #tpu.memory_space<hbm>>, %arg4: memref<10000x128xf32, #tpu.memory_space<hbm>>, %arg5: memref<320000xf32, #tpu.memory_space<hbm>>, %arg6: memref<10000xi32, #tpu.memory_space<vmem>>, %arg7: memref<10000xi32, #tpu.memory_space<vmem>>, %arg8: memref<80x128xf32, #tpu.memory_space<vmem>>, %arg9: memref<80x128xf32, #tpu.memory_space<vmem>>, %arg10: memref<1280xf32, #tpu.memory_space<vmem>>, %arg11: memref<10000xf32, #tpu.memory_space<vmem>>, %arg12: memref<!tpu.dma_semaphore, #tpu.memory_space<semaphore_mem>>, %arg13: memref<!tpu.dma_semaphore, #tpu.memory_space<semaphore_mem>>) attributes {dimension_semantics = [#tpu.dimension_semantics<core_parallel>, #tpu.dimension_semantics<subcore_parallel>], iteration_bounds = array<i64: 2, 16>, scalar_prefetch = 0 : i64, scratch_operands = 8 : i64, tpu.core_type = #tpu.core_type<sc_vector_subcore>, window_params = [{transform_indices = #map}, {transform_indices = #map}, {transform_indices = #map1}, {transform_indices = #map}]} {
    %mul3A = arith.constant 2 : i32
    %mul3A_0 = arith.muli %arg1, %mul3A : i32
    %add3A = arith.addi %mul3A_0, %arg0 : i32
    %mul3A_1 = arith.constant 10000 : i32
    %mul3A_2 = arith.muli %add3A, %mul3A_1 : i32
    "tpu.region"() ({
      %run_scoped3A = tpu.sem_alloc : memref<!tpu.dma_semaphore, #tpu.memory_space<semaphore_mem>>
      %dma_start3A = tpu.memref_slice %arg2[%mul3A_2] : memref<320000xi32, #tpu.memory_space<hbm>> -> memref<10000xi32, #tpu.memory_space<hbm>>
      %dma_start3A_8 = tpu.memref_slice %arg2[%mul3A_2] : memref<320000xi32, #tpu.memory_space<hbm>> -> memref<10000xi32, #tpu.memory_space<hbm>>
      tpu.enqueue_dma source(%dma_start3A_8 : memref<10000xi32, #tpu.memory_space<hbm>>) target(%arg6 : memref<10000xi32, #tpu.memory_space<vmem>>) target_semaphore(%run_scoped3A : memref<!tpu.dma_semaphore, #tpu.memory_space<semaphore_mem>>)
      %dma_wait3A = tpu.memref_slice %arg2[%mul3A_2] : memref<320000xi32, #tpu.memory_space<hbm>> -> memref<10000xi32, #tpu.memory_space<hbm>>
      %dma_wait3A_9 = tpu.memref_slice %arg2[%mul3A_2] : memref<320000xi32, #tpu.memory_space<hbm>> -> memref<10000xi32, #tpu.memory_space<hbm>>
      tpu.wait_dma2 semaphore(%run_scoped3A : memref<!tpu.dma_semaphore, #tpu.memory_space<semaphore_mem>>) src(%dma_wait3A_9 : memref<10000xi32, #tpu.memory_space<hbm>>) dst(%arg6 : memref<10000xi32, #tpu.memory_space<vmem>>)
      tpu.yield
    }) : () -> ()
    "tpu.region"() ({
      %run_scoped3A = tpu.sem_alloc : memref<!tpu.dma_semaphore, #tpu.memory_space<semaphore_mem>>
      %dma_start3A = tpu.memref_slice %arg3[%mul3A_2] : memref<320000xi32, #tpu.memory_space<hbm>> -> memref<10000xi32, #tpu.memory_space<hbm>>
      %dma_start3A_8 = tpu.memref_slice %arg3[%mul3A_2] : memref<320000xi32, #tpu.memory_space<hbm>> -> memref<10000xi32, #tpu.memory_space<hbm>>
      tpu.enqueue_dma source(%dma_start3A_8 : memref<10000xi32, #tpu.memory_space<hbm>>) target(%arg7 : memref<10000xi32, #tpu.memory_space<vmem>>) target_semaphore(%run_scoped3A : memref<!tpu.dma_semaphore, #tpu.memory_space<semaphore_mem>>)
      %dma_wait3A = tpu.memref_slice %arg3[%mul3A_2] : memref<320000xi32, #tpu.memory_space<hbm>> -> memref<10000xi32, #tpu.memory_space<hbm>>
      %dma_wait3A_9 = tpu.memref_slice %arg3[%mul3A_2] : memref<320000xi32, #tpu.memory_space<hbm>> -> memref<10000xi32, #tpu.memory_space<hbm>>
      tpu.wait_dma2 semaphore(%run_scoped3A : memref<!tpu.dma_semaphore, #tpu.memory_space<semaphore_mem>>) src(%dma_wait3A_9 : memref<10000xi32, #tpu.memory_space<hbm>>) dst(%arg7 : memref<10000xi32, #tpu.memory_space<vmem>>)
      tpu.yield
    }) : () -> ()
    %scan3A = arith.constant 0 : i32
    %scan3A_3 = arith.constant 0 : i32
    %scan3A_4 = arith.constant 125 : i32
    %scan3A_5 = arith.addi %scan3A_3, %scan3A_4 : i32
    %scan3A_6 = arith.constant 1 : i32
    scf.for %scan3A_8 = %scan3A_3 to %scan3A_5 step %scan3A_6  : i32 {
      %mul3A_9 = arith.constant 80 : i32
      %mul3A_10 = arith.muli %scan3A_8, %mul3A_9 : i32
      %dma_start3A = tpu.memref_slice %arg6[%mul3A_10] : memref<10000xi32, #tpu.memory_space<vmem>> -> memref<80xi32, #tpu.memory_space<vmem>>
      %dma_start3A_11 = arith.constant 0 : i32
      %dma_start3A_12 = arith.constant 0 : i32
      %dma_start3A_13 = tpu.memref_slice %arg4[%dma_start3A_11, %dma_start3A_12] : memref<10000x128xf32, #tpu.memory_space<hbm>> -> memref<10000x128xf32, #tpu.memory_space<hbm>>
      tpu.enqueue_indirect_dma source(%dma_start3A_13 : memref<10000x128xf32, #tpu.memory_space<hbm>>) target(%arg8 : memref<80x128xf32, #tpu.memory_space<vmem>>) offsets(%dma_start3A : memref<80xi32, #tpu.memory_space<vmem>>) semaphore(%arg12 : memref<!tpu.dma_semaphore, #tpu.memory_space<semaphore_mem>>)
      %dma_start3A_14 = tpu.memref_slice %arg7[%mul3A_10] : memref<10000xi32, #tpu.memory_space<vmem>> -> memref<80xi32, #tpu.memory_space<vmem>>
      %dma_start3A_15 = arith.constant 0 : i32
      %dma_start3A_16 = arith.constant 0 : i32
      %dma_start3A_17 = tpu.memref_slice %arg4[%dma_start3A_15, %dma_start3A_16] : memref<10000x128xf32, #tpu.memory_space<hbm>> -> memref<10000x128xf32, #tpu.memory_space<hbm>>
      tpu.enqueue_indirect_dma source(%dma_start3A_17 : memref<10000x128xf32, #tpu.memory_space<hbm>>) target(%arg9 : memref<80x128xf32, #tpu.memory_space<vmem>>) offsets(%dma_start3A_14 : memref<80xi32, #tpu.memory_space<vmem>>) semaphore(%arg13 : memref<!tpu.dma_semaphore, #tpu.memory_space<semaphore_mem>>)
      %dma_wait3A = tpu.memref_slice %arg6[%mul3A_10] : memref<10000xi32, #tpu.memory_space<vmem>> -> memref<80xi32, #tpu.memory_space<vmem>>
      %dma_wait3A_18 = arith.constant 0 : i32
      %dma_wait3A_19 = arith.constant 0 : i32
      %dma_wait3A_20 = tpu.memref_slice %arg4[%dma_wait3A_18, %dma_wait3A_19] : memref<10000x128xf32, #tpu.memory_space<hbm>> -> memref<10000x128xf32, #tpu.memory_space<hbm>>
      tpu.wait_indirect_dma semaphore(%arg12 : memref<!tpu.dma_semaphore, #tpu.memory_space<semaphore_mem>>) src(%dma_wait3A_20 : memref<10000x128xf32, #tpu.memory_space<hbm>>) dst(%arg8 : memref<80x128xf32, #tpu.memory_space<vmem>>)
      %dma_wait3A_21 = tpu.memref_slice %arg7[%mul3A_10] : memref<10000xi32, #tpu.memory_space<vmem>> -> memref<80xi32, #tpu.memory_space<vmem>>
      %dma_wait3A_22 = arith.constant 0 : i32
      %dma_wait3A_23 = arith.constant 0 : i32
      %dma_wait3A_24 = tpu.memref_slice %arg4[%dma_wait3A_22, %dma_wait3A_23] : memref<10000x128xf32, #tpu.memory_space<hbm>> -> memref<10000x128xf32, #tpu.memory_space<hbm>>
      tpu.wait_indirect_dma semaphore(%arg13 : memref<!tpu.dma_semaphore, #tpu.memory_space<semaphore_mem>>) src(%dma_wait3A_24 : memref<10000x128xf32, #tpu.memory_space<hbm>>) dst(%arg9 : memref<80x128xf32, #tpu.memory_space<vmem>>)
      %scan3A_25 = arith.constant 0 : i32
      %scan3A_26 = arith.constant 0 : i32
      %scan3A_27 = arith.constant 80 : i32
      %scan3A_28 = arith.addi %scan3A_26, %scan3A_27 : i32
      %scan3A_29 = arith.constant 1 : i32
      scf.for %scan3A_37 = %scan3A_26 to %scan3A_28 step %scan3A_29  : i32 {
        %broadcast_in_dim3A = arith.constant 0.000000e+00 : f32
        %broadcast_in_dim3A_38 = vector.broadcast %broadcast_in_dim3A : f32 to vector<16xf32>
        %get3A = arith.index_cast %scan3A_37 : i32 to index
        %get3A_39 = arith.constant 0 : index
        %get3A_40 = tpu.vector_load %arg8[%get3A, %get3A_39] {strides = array<i32>} : memref<80x128xf32, #tpu.memory_space<vmem>>, vector<16xf32>,
        %get3A_41 = arith.index_cast %scan3A_37 : i32 to index
        %get3A_42 = arith.constant 0 : index
        %get3A_43 = tpu.vector_load %arg9[%get3A_41, %get3A_42] {strides = array<i32>} : memref<80x128xf32, #tpu.memory_space<vmem>>, vector<16xf32>,
        %mul3A_44 = arith.mulf %get3A_40, %get3A_43 : vector<16xf32>
        %add3A_45 = arith.addf %broadcast_in_dim3A_38, %mul3A_44 : vector<16xf32>
        %get3A_46 = arith.index_cast %scan3A_37 : i32 to index
        %get3A_47 = arith.constant 16 : index
        %get3A_48 = tpu.vector_load %arg8[%get3A_46, %get3A_47] {strides = array<i32>} : memref<80x128xf32, #tpu.memory_space<vmem>>, vector<16xf32>,
        %get3A_49 = arith.index_cast %scan3A_37 : i32 to index
        %get3A_50 = arith.constant 16 : index
        %get3A_51 = tpu.vector_load %arg9[%get3A_49, %get3A_50] {strides = array<i32>} : memref<80x128xf32, #tpu.memory_space<vmem>>, vector<16xf32>,
        %mul3A_52 = arith.mulf %get3A_48, %get3A_51 : vector<16xf32>
        %add3A_53 = arith.addf %add3A_45, %mul3A_52 : vector<16xf32>
        %get3A_54 = arith.index_cast %scan3A_37 : i32 to index
        %get3A_55 = arith.constant 32 : index
        %get3A_56 = tpu.vector_load %arg8[%get3A_54, %get3A_55] {strides = array<i32>} : memref<80x128xf32, #tpu.memory_space<vmem>>, vector<16xf32>,
        %get3A_57 = arith.index_cast %scan3A_37 : i32 to index
        %get3A_58 = arith.constant 32 : index
        %get3A_59 = tpu.vector_load %arg9[%get3A_57, %get3A_58] {strides = array<i32>} : memref<80x128xf32, #tpu.memory_space<vmem>>, vector<16xf32>,
        %mul3A_60 = arith.mulf %get3A_56, %get3A_59 : vector<16xf32>
        %add3A_61 = arith.addf %add3A_53, %mul3A_60 : vector<16xf32>
        %get3A_62 = arith.index_cast %scan3A_37 : i32 to index
        %get3A_63 = arith.constant 48 : index
        %get3A_64 = tpu.vector_load %arg8[%get3A_62, %get3A_63] {strides = array<i32>} : memref<80x128xf32, #tpu.memory_space<vmem>>, vector<16xf32>,
        %get3A_65 = arith.index_cast %scan3A_37 : i32 to index
        %get3A_66 = arith.constant 48 : index
        %get3A_67 = tpu.vector_load %arg9[%get3A_65, %get3A_66] {strides = array<i32>} : memref<80x128xf32, #tpu.memory_space<vmem>>, vector<16xf32>,
        %mul3A_68 = arith.mulf %get3A_64, %get3A_67 : vector<16xf32>
        %add3A_69 = arith.addf %add3A_61, %mul3A_68 : vector<16xf32>
        %get3A_70 = arith.index_cast %scan3A_37 : i32 to index
        %get3A_71 = arith.constant 64 : index
        %get3A_72 = tpu.vector_load %arg8[%get3A_70, %get3A_71] {strides = array<i32>} : memref<80x128xf32, #tpu.memory_space<vmem>>, vector<16xf32>,
        %get3A_73 = arith.index_cast %scan3A_37 : i32 to index
        %get3A_74 = arith.constant 64 : index
        %get3A_75 = tpu.vector_load %arg9[%get3A_73, %get3A_74] {strides = array<i32>} : memref<80x128xf32, #tpu.memory_space<vmem>>, vector<16xf32>,
        %mul3A_76 = arith.mulf %get3A_72, %get3A_75 : vector<16xf32>
        %add3A_77 = arith.addf %add3A_69, %mul3A_76 : vector<16xf32>
        %get3A_78 = arith.index_cast %scan3A_37 : i32 to index
        %get3A_79 = arith.constant 80 : index
        %get3A_80 = tpu.vector_load %arg8[%get3A_78, %get3A_79] {strides = array<i32>} : memref<80x128xf32, #tpu.memory_space<vmem>>, vector<16xf32>,
        %get3A_81 = arith.index_cast %scan3A_37 : i32 to index
        %get3A_82 = arith.constant 80 : index
        %get3A_83 = tpu.vector_load %arg9[%get3A_81, %get3A_82] {strides = array<i32>} : memref<80x128xf32, #tpu.memory_space<vmem>>, vector<16xf32>,
        %mul3A_84 = arith.mulf %get3A_80, %get3A_83 : vector<16xf32>
        %add3A_85 = arith.addf %add3A_77, %mul3A_84 : vector<16xf32>
        %get3A_86 = arith.index_cast %scan3A_37 : i32 to index
        %get3A_87 = arith.constant 96 : index
        %get3A_88 = tpu.vector_load %arg8[%get3A_86, %get3A_87] {strides = array<i32>} : memref<80x128xf32, #tpu.memory_space<vmem>>, vector<16xf32>,
        %get3A_89 = arith.index_cast %scan3A_37 : i32 to index
        %get3A_90 = arith.constant 96 : index
        %get3A_91 = tpu.vector_load %arg9[%get3A_89, %get3A_90] {strides = array<i32>} : memref<80x128xf32, #tpu.memory_space<vmem>>, vector<16xf32>,
        %mul3A_92 = arith.mulf %get3A_88, %get3A_91 : vector<16xf32>
        %add3A_93 = arith.addf %add3A_85, %mul3A_92 : vector<16xf32>
        %get3A_94 = arith.index_cast %scan3A_37 : i32 to index
        %get3A_95 = arith.constant 112 : index
        %get3A_96 = tpu.vector_load %arg8[%get3A_94, %get3A_95] {strides = array<i32>} : memref<80x128xf32, #tpu.memory_space<vmem>>, vector<16xf32>,
        %get3A_97 = arith.index_cast %scan3A_37 : i32 to index
        %get3A_98 = arith.constant 112 : index
        %get3A_99 = tpu.vector_load %arg9[%get3A_97, %get3A_98] {strides = array<i32>} : memref<80x128xf32, #tpu.memory_space<vmem>>, vector<16xf32>,
        %mul3A_100 = arith.mulf %get3A_96, %get3A_99 : vector<16xf32>
        %add3A_101 = arith.addf %add3A_93, %mul3A_100 : vector<16xf32>
        %mul3A_102 = arith.constant 16 : i32
        %mul3A_103 = arith.muli %scan3A_37, %mul3A_102 : i32
        %swap3A = arith.index_cast %mul3A_103 : i32 to index
        %swap3A_104 = tpu.vector_load %arg10[%swap3A] {strides = array<i32>} : memref<1280xf32, #tpu.memory_space<vmem>>, vector<16xf32>,
        tpu.vector_store %arg10[%swap3A], %add3A_101 {strides = array<i32>} : memref<1280xf32, #tpu.memory_space<vmem>>, vector<16xf32>,
      }
      %scan3A_30 = arith.constant 80 : i32
      %scan3A_31 = arith.constant 0 : i32
      %scan3A_32 = arith.constant 0 : i32
      %scan3A_33 = arith.constant 5 : i32
      %scan3A_34 = arith.addi %scan3A_32, %scan3A_33 : i32
      %scan3A_35 = arith.constant 1 : i32
      scf.for %scan3A_37 = %scan3A_32 to %scan3A_34 step %scan3A_35  : i32 {
        %mul3A_38 = arith.constant 16 : i32
        %mul3A_39 = arith.muli %scan3A_37, %mul3A_38 : i32
        %iota3A = tpu.iota {dimensions = array<i32: 0>} : vector<16xi32>
        %add3A_40 = vector.broadcast %mul3A_39 : i32 to vector<16xi32>
        %add3A_41 = arith.addi %add3A_40, %iota3A : vector<16xi32>
        %broadcast_in_dim3A = arith.constant 0.000000e+00 : f32
        %broadcast_in_dim3A_42 = vector.broadcast %broadcast_in_dim3A : f32 to vector<16xf32>
        %mul3A_43 = arith.constant 16 : i32
        %mul3A_44 = vector.broadcast %mul3A_43 : i32 to vector<16xi32>
        %mul3A_45 = arith.muli %add3A_41, %mul3A_44 : vector<16xi32>
        %add3A_46 = arith.constant 0 : i32
        %add3A_47 = vector.broadcast %add3A_46 : i32 to vector<16xi32>
        %add3A_48 = arith.addi %mul3A_45, %add3A_47 : vector<16xi32>
        %gather3A = tpu.vector_load_idx %arg10[%add3A_48] : memref<1280xf32, #tpu.memory_space<vmem>>[vector<16xi32>], vector<16xf32>,
        %add3A_49 = arith.addf %broadcast_in_dim3A_42, %gather3A : vector<16xf32>
        %mul3A_50 = arith.constant 16 : i32
        %mul3A_51 = vector.broadcast %mul3A_50 : i32 to vector<16xi32>
        %mul3A_52 = arith.muli %add3A_41, %mul3A_51 : vector<16xi32>
        %add3A_53 = arith.constant 1 : i32
        %add3A_54 = vector.broadcast %add3A_53 : i32 to vector<16xi32>
        %add3A_55 = arith.addi %mul3A_52, %add3A_54 : vector<16xi32>
        %gather3A_56 = tpu.vector_load_idx %arg10[%add3A_55] : memref<1280xf32, #tpu.memory_space<vmem>>[vector<16xi32>], vector<16xf32>,
        %add3A_57 = arith.addf %add3A_49, %gather3A_56 : vector<16xf32>
        %mul3A_58 = arith.constant 16 : i32
        %mul3A_59 = vector.broadcast %mul3A_58 : i32 to vector<16xi32>
        %mul3A_60 = arith.muli %add3A_41, %mul3A_59 : vector<16xi32>
        %add3A_61 = arith.constant 2 : i32
        %add3A_62 = vector.broadcast %add3A_61 : i32 to vector<16xi32>
        %add3A_63 = arith.addi %mul3A_60, %add3A_62 : vector<16xi32>
        %gather3A_64 = tpu.vector_load_idx %arg10[%add3A_63] : memref<1280xf32, #tpu.memory_space<vmem>>[vector<16xi32>], vector<16xf32>,
        %add3A_65 = arith.addf %add3A_57, %gather3A_64 : vector<16xf32>
        %mul3A_66 = arith.constant 16 : i32
        %mul3A_67 = vector.broadcast %mul3A_66 : i32 to vector<16xi32>
        %mul3A_68 = arith.muli %add3A_41, %mul3A_67 : vector<16xi32>
        %add3A_69 = arith.constant 3 : i32
        %add3A_70 = vector.broadcast %add3A_69 : i32 to vector<16xi32>
        %add3A_71 = arith.addi %mul3A_68, %add3A_70 : vector<16xi32>
        %gather3A_72 = tpu.vector_load_idx %arg10[%add3A_71] : memref<1280xf32, #tpu.memory_space<vmem>>[vector<16xi32>], vector<16xf32>,
        %add3A_73 = arith.addf %add3A_65, %gather3A_72 : vector<16xf32>
        %mul3A_74 = arith.constant 16 : i32
        %mul3A_75 = vector.broadcast %mul3A_74 : i32 to vector<16xi32>
        %mul3A_76 = arith.muli %add3A_41, %mul3A_75 : vector<16xi32>
        %add3A_77 = arith.constant 4 : i32
        %add3A_78 = vector.broadcast %add3A_77 : i32 to vector<16xi32>
        %add3A_79 = arith.addi %mul3A_76, %add3A_78 : vector<16xi32>
        %gather3A_80 = tpu.vector_load_idx %arg10[%add3A_79] : memref<1280xf32, #tpu.memory_space<vmem>>[vector<16xi32>], vector<16xf32>,
        %add3A_81 = arith.addf %add3A_73, %gather3A_80 : vector<16xf32>
        %mul3A_82 = arith.constant 16 : i32
        %mul3A_83 = vector.broadcast %mul3A_82 : i32 to vector<16xi32>
        %mul3A_84 = arith.muli %add3A_41, %mul3A_83 : vector<16xi32>
        %add3A_85 = arith.constant 5 : i32
        %add3A_86 = vector.broadcast %add3A_85 : i32 to vector<16xi32>
        %add3A_87 = arith.addi %mul3A_84, %add3A_86 : vector<16xi32>
        %gather3A_88 = tpu.vector_load_idx %arg10[%add3A_87] : memref<1280xf32, #tpu.memory_space<vmem>>[vector<16xi32>], vector<16xf32>,
        %add3A_89 = arith.addf %add3A_81, %gather3A_88 : vector<16xf32>
        %mul3A_90 = arith.constant 16 : i32
        %mul3A_91 = vector.broadcast %mul3A_90 : i32 to vector<16xi32>
        %mul3A_92 = arith.muli %add3A_41, %mul3A_91 : vector<16xi32>
        %add3A_93 = arith.constant 6 : i32
        %add3A_94 = vector.broadcast %add3A_93 : i32 to vector<16xi32>
        %add3A_95 = arith.addi %mul3A_92, %add3A_94 : vector<16xi32>
        %gather3A_96 = tpu.vector_load_idx %arg10[%add3A_95] : memref<1280xf32, #tpu.memory_space<vmem>>[vector<16xi32>], vector<16xf32>,
        %add3A_97 = arith.addf %add3A_89, %gather3A_96 : vector<16xf32>
        %mul3A_98 = arith.constant 16 : i32
        %mul3A_99 = vector.broadcast %mul3A_98 : i32 to vector<16xi32>
        %mul3A_100 = arith.muli %add3A_41, %mul3A_99 : vector<16xi32>
        %add3A_101 = arith.constant 7 : i32
        %add3A_102 = vector.broadcast %add3A_101 : i32 to vector<16xi32>
        %add3A_103 = arith.addi %mul3A_100, %add3A_102 : vector<16xi32>
        %gather3A_104 = tpu.vector_load_idx %arg10[%add3A_103] : memref<1280xf32, #tpu.memory_space<vmem>>[vector<16xi32>], vector<16xf32>,
        %add3A_105 = arith.addf %add3A_97, %gather3A_104 : vector<16xf32>
        %mul3A_106 = arith.constant 16 : i32
        %mul3A_107 = vector.broadcast %mul3A_106 : i32 to vector<16xi32>
        %mul3A_108 = arith.muli %add3A_41, %mul3A_107 : vector<16xi32>
        %add3A_109 = arith.constant 8 : i32
        %add3A_110 = vector.broadcast %add3A_109 : i32 to vector<16xi32>
        %add3A_111 = arith.addi %mul3A_108, %add3A_110 : vector<16xi32>
        %gather3A_112 = tpu.vector_load_idx %arg10[%add3A_111] : memref<1280xf32, #tpu.memory_space<vmem>>[vector<16xi32>], vector<16xf32>,
        %add3A_113 = arith.addf %add3A_105, %gather3A_112 : vector<16xf32>
        %mul3A_114 = arith.constant 16 : i32
        %mul3A_115 = vector.broadcast %mul3A_114 : i32 to vector<16xi32>
        %mul3A_116 = arith.muli %add3A_41, %mul3A_115 : vector<16xi32>
        %add3A_117 = arith.constant 9 : i32
        %add3A_118 = vector.broadcast %add3A_117 : i32 to vector<16xi32>
        %add3A_119 = arith.addi %mul3A_116, %add3A_118 : vector<16xi32>
        %gather3A_120 = tpu.vector_load_idx %arg10[%add3A_119] : memref<1280xf32, #tpu.memory_space<vmem>>[vector<16xi32>], vector<16xf32>,
        %add3A_121 = arith.addf %add3A_113, %gather3A_120 : vector<16xf32>
        %mul3A_122 = arith.constant 16 : i32
        %mul3A_123 = vector.broadcast %mul3A_122 : i32 to vector<16xi32>
        %mul3A_124 = arith.muli %add3A_41, %mul3A_123 : vector<16xi32>
        %add3A_125 = arith.constant 10 : i32
        %add3A_126 = vector.broadcast %add3A_125 : i32 to vector<16xi32>
        %add3A_127 = arith.addi %mul3A_124, %add3A_126 : vector<16xi32>
        %gather3A_128 = tpu.vector_load_idx %arg10[%add3A_127] : memref<1280xf32, #tpu.memory_space<vmem>>[vector<16xi32>], vector<16xf32>,
        %add3A_129 = arith.addf %add3A_121, %gather3A_128 : vector<16xf32>
        %mul3A_130 = arith.constant 16 : i32
        %mul3A_131 = vector.broadcast %mul3A_130 : i32 to vector<16xi32>
        %mul3A_132 = arith.muli %add3A_41, %mul3A_131 : vector<16xi32>
        %add3A_133 = arith.constant 11 : i32
        %add3A_134 = vector.broadcast %add3A_133 : i32 to vector<16xi32>
        %add3A_135 = arith.addi %mul3A_132, %add3A_134 : vector<16xi32>
        %gather3A_136 = tpu.vector_load_idx %arg10[%add3A_135] : memref<1280xf32, #tpu.memory_space<vmem>>[vector<16xi32>], vector<16xf32>,
        %add3A_137 = arith.addf %add3A_129, %gather3A_136 : vector<16xf32>
        %mul3A_138 = arith.constant 16 : i32
        %mul3A_139 = vector.broadcast %mul3A_138 : i32 to vector<16xi32>
        %mul3A_140 = arith.muli %add3A_41, %mul3A_139 : vector<16xi32>
        %add3A_141 = arith.constant 12 : i32
        %add3A_142 = vector.broadcast %add3A_141 : i32 to vector<16xi32>
        %add3A_143 = arith.addi %mul3A_140, %add3A_142 : vector<16xi32>
        %gather3A_144 = tpu.vector_load_idx %arg10[%add3A_143] : memref<1280xf32, #tpu.memory_space<vmem>>[vector<16xi32>], vector<16xf32>,
        %add3A_145 = arith.addf %add3A_137, %gather3A_144 : vector<16xf32>
        %mul3A_146 = arith.constant 16 : i32
        %mul3A_147 = vector.broadcast %mul3A_146 : i32 to vector<16xi32>
        %mul3A_148 = arith.muli %add3A_41, %mul3A_147 : vector<16xi32>
        %add3A_149 = arith.constant 13 : i32
        %add3A_150 = vector.broadcast %add3A_149 : i32 to vector<16xi32>
        %add3A_151 = arith.addi %mul3A_148, %add3A_150 : vector<16xi32>
        %gather3A_152 = tpu.vector_load_idx %arg10[%add3A_151] : memref<1280xf32, #tpu.memory_space<vmem>>[vector<16xi32>], vector<16xf32>,
        %add3A_153 = arith.addf %add3A_145, %gather3A_152 : vector<16xf32>
        %mul3A_154 = arith.constant 16 : i32
        %mul3A_155 = vector.broadcast %mul3A_154 : i32 to vector<16xi32>
        %mul3A_156 = arith.muli %add3A_41, %mul3A_155 : vector<16xi32>
        %add3A_157 = arith.constant 14 : i32
        %add3A_158 = vector.broadcast %add3A_157 : i32 to vector<16xi32>
        %add3A_159 = arith.addi %mul3A_156, %add3A_158 : vector<16xi32>
        %gather3A_160 = tpu.vector_load_idx %arg10[%add3A_159] : memref<1280xf32, #tpu.memory_space<vmem>>[vector<16xi32>], vector<16xf32>,
        %add3A_161 = arith.addf %add3A_153, %gather3A_160 : vector<16xf32>
        %mul3A_162 = arith.constant 16 : i32
        %mul3A_163 = vector.broadcast %mul3A_162 : i32 to vector<16xi32>
        %mul3A_164 = arith.muli %add3A_41, %mul3A_163 : vector<16xi32>
        %add3A_165 = arith.constant 15 : i32
        %add3A_166 = vector.broadcast %add3A_165 : i32 to vector<16xi32>
        %add3A_167 = arith.addi %mul3A_164, %add3A_166 : vector<16xi32>
        %gather3A_168 = tpu.vector_load_idx %arg10[%add3A_167] : memref<1280xf32, #tpu.memory_space<vmem>>[vector<16xi32>], vector<16xf32>,
        %add3A_169 = arith.addf %add3A_161, %gather3A_168 : vector<16xf32>
        %mul3A_170 = arith.constant 16 : i32
        %mul3A_171 = arith.muli %scan3A_37, %mul3A_170 : i32
        %add3A_172 = arith.addi %mul3A_10, %mul3A_171 : i32
        %swap3A = arith.index_cast %add3A_172 : i32 to index
        %swap3A_173 = tpu.vector_load %arg11[%swap3A] {strides = array<i32>} : memref<10000xf32, #tpu.memory_space<vmem>>, vector<16xf32>,
        tpu.vector_store %arg11[%swap3A], %add3A_169 {strides = array<i32>} : memref<10000xf32, #tpu.memory_space<vmem>>, vector<16xf32>,
      }
      %scan3A_36 = arith.constant 5 : i32
    }
    %scan3A_7 = arith.constant 125 : i32
    "tpu.region"() ({
      %run_scoped3A = tpu.sem_alloc : memref<!tpu.dma_semaphore, #tpu.memory_space<semaphore_mem>>
      %dma_start3A = tpu.memref_slice %arg5[%mul3A_2] : memref<320000xf32, #tpu.memory_space<hbm>> -> memref<10000xf32, #tpu.memory_space<hbm>>
      %dma_start3A_8 = tpu.memref_slice %arg5[%mul3A_2] : memref<320000xf32, #tpu.memory_space<hbm>> -> memref<10000xf32, #tpu.memory_space<hbm>>
      tpu.enqueue_dma source(%arg11 : memref<10000xf32, #tpu.memory_space<vmem>>) target(%dma_start3A_8 : memref<10000xf32, #tpu.memory_space<hbm>>) target_semaphore(%run_scoped3A : memref<!tpu.dma_semaphore, #tpu.memory_space<semaphore_mem>>)
      %dma_wait3A = tpu.memref_slice %arg5[%mul3A_2] : memref<320000xf32, #tpu.memory_space<hbm>> -> memref<10000xf32, #tpu.memory_space<hbm>>
      %dma_wait3A_9 = tpu.memref_slice %arg5[%mul3A_2] : memref<320000xf32, #tpu.memory_space<hbm>> -> memref<10000xf32, #tpu.memory_space<hbm>>
      tpu.wait_dma2 semaphore(%run_scoped3A : memref<!tpu.dma_semaphore, #tpu.memory_space<semaphore_mem>>) src(%arg11 : memref<10000xf32, #tpu.memory_space<vmem>>) dst(%dma_wait3A_9 : memref<10000xf32, #tpu.memory_space<hbm>>)
      tpu.yield
    }) : () -> ()
    return
  }
}

</mosaic_0001>

<sc_bundles>
// kernel: kernel.3.cloned.1.call-start
scs
__scs_entry_jumppad:
0x0: {  	(pc) =	sbr.rel $0x88, $3  }
0x1: {  	(tag) =	ssettag $0x0;
	lr =	simm.s32 $0x1  }
0x2: {  	[smem:$0x3F9F] =	sst lr;
	_ =	strace $0xD0000000  }
0x3: {  	_ = 	snop  }
0x4: {  	_ = 	snop  }
0x5: {  	_ = 	snop  }
0x6: {  	_ = 	snop  }
0x7: {  	_ = 	snop  }
__scs_overlays_trampoline_lowered:
0x8: {  	[smem:$0x3FAE] =	sst s0  }
0x9: {  	[smem:$0x3FAF] =	sst s1  }
0xa: {  	[smem:$0x3FB0] =	sst s2  }
0xb: {  	[smem:$0x3FB1] =	sst s3  }
0xc: {  	[smem:$0x3FB2] =	sst s4  }
0xd: {  	[smem:$0x3FB3] =	sst s5  }
0xe: {  	[smem:$0x3FB4] =	sst s6  }
0xf: {  	[smem:$0x3FB5] =	sst s7  }
0x10: {  	[smem:$0x3FB6] =	sst s8  }
0x11: {  	[smem:$0x3FB7] =	sst s9;
	s0 =	simm.s32 @!p0 $0x0  }
0x12: {  	s1 =	sld [smem:$0x3F9D];
	s0 =	simm.s32 @p0 $0x1  }
0x13: {  	[smem:$0x3FB8] =	sst s0;
	s0 =	simm.s32 @!p1 $0x0  }
0x14: {  	s2 =	sld [smem:$0x3F9C];
	s0 =	simm.s32 @p1 $0x1  }
0x15: {  	[smem:$0x3FB9] =	sst s0;
	s0 =	simm.s32 @!p2 $0x0  }
0x16: {  	s3 =	sld [smem:$0x3FDB];
	s0 =	simm.s32 @p2 $0x1  }
0x17: {  	s4 =	simm.s32 $0x1BF5;
	[smem:$0x3FBB] =	sst s0  }
0x18: {  	s0 =	sld [smem:$0x3F9E];
	_ =	swait.ge [sflag:s4], $0x0  }
0x19: {  	s7 =	sld [smem:$0x3F9F]  }
0x1a: {  	s8 =	sadd.s32 $0xFFFFE003, lr  }
0x1b: {  	s9 =	sadd.s32 $0xFFFFFEF7, lr;
	s5 =	simm.s32 $0xFFFFFFFF;
	p2 =	slt.u32 s8, $0xFFFFF086  }
0x1c: {  	p1 =	slt.u32 s9, $0xF7A;
	s5 =	simm.s32 @!p2 $0x0  }
0x1d: {  	s5 =	simm.s32 @p1 $0x1;
	p0 =	seq.s32 s7, s2  }
0x1e: {  	s7 =	smul.u32 @!p0 $0xF7A, s2;
	p2 =	seq.s32 @!p0 s5, $0x0  }
0x1f: {  	s9 =	smul.u32 $0xF7A, s1;
	s8 =	simm.s32 @!p0 $0x1BF5;
	p2 =	por !p2, p0  }
0x20: {  	[sflag:s8] =	ssyncset.s32 @!p0 $0xFFFFF086;
	s6 =	sadd.s32 @!p0 s3, s7;
	s7 =	simm.s32 @!p0 $0x108  }
0x21: {  	s3 =	sadd.s32 s3, s9;
	s6 =	sadd.s32 @!p0 $0x88, s6;
	s7 =	simm.s32 @p2 $0x1082  }
0x22: {  	[simem:s7], [sflag:s8] =	dma.local @!p0 [hbm:s6], $0xF7A  }
0x23: {  	s9 =	sor.u32 $0xD0000000, s2;
	s6 =	simm.s32 $0x108;
	_ =	swait.ge @!p0 [sflag:s8], $0x0  }
0x24: {  	s3 =	sadd.s32 $0x88, s3;
	s6 =	simm.s32 @!p1 $0x1082;
	[sflag:s4] =	ssyncset.s32 $0xFFFFF086  }
0x25: {  	[simem:s6], [sflag:s4] =	dma.local [hbm:s3], $0xF7A  }
0x26: {  	[smem:$0x3F9F] =	sst s1;
	(tag) =	ssettag s2;
	_ =	strace s9  }
0x27: {  	s1 =	sld [smem:$0x3FAF]  }
0x28: {  	s2 =	sld [smem:$0x3FB0]  }
0x29: {  	s4 =	sld [smem:$0x3FB2]  }
0x2a: {  	p0 =	seq.s32 s5, $0x0;
	s5 =	sld [smem:$0x3FB3]  }
0x2b: {  	s6 =	sld [smem:$0x3FB4]  }
0x2c: {  	s7 =	sld [smem:$0x3FB5]  }
0x2d: {  	s3 =	simm.s32 $0x108;
	s8 =	sld [smem:$0x3FB6]  }
0x2e: {  	s3 =	simm.s32 @!p0 $0x1082;
	s9 =	sld [smem:$0x3FB7]  }
0x2f: {  	lr =	sadd.s32 s0, s3;
	s0 =	sld [smem:$0x3FAE]  }
0x30: {  	s3 =	sld [smem:$0x3FB1]  }
0x31: {  	[smem:$0x3FBA] =	sst s10  }
0x32: {  	s10 =	sld [smem:$0x3FB8];
	_ =	sdelay $0x3  }
0x33: {  	p0 =	seq.s32 s10, $0x1;
	s10 =	sld [smem:$0x3FBA];
	_ =	sdelay $0x3  }
0x34: {  	[smem:$0x3FBA] =	sst s10  }
0x35: {  	s10 =	sld [smem:$0x3FB9];
	_ =	sdelay $0x3  }
0x36: {  	p1 =	seq.s32 s10, $0x1;
	s10 =	sld [smem:$0x3FBA];
	_ =	sdelay $0x3  }
0x37: {  	[smem:$0x3FBA] =	sst s10  }
0x38: {  	s10 =	sld [smem:$0x3FBB]  }
0x39: {  	_ = 	snop;
	(pc) =	sbr.ind lr, $3  }
0x3a: {  	_ = 	snop  }
0x3b: {  	_ = 	snop  }
0x3c: {  	p2 =	seq.s32 s10, $0x1;
	s10 =	sld [smem:$0x3FBA]  }
0x3d: {  	_ =	shalt  }
0x3e: {  	_ =	shalt  }
0x3f: {  	_ =	shalt  }
0x40: {  	_ =	shalt  }
0x41: {  	_ =	shalt  }
0x42: {  	_ =	shalt  }
0x43: {  	_ =	shalt  }
0x44: {  	_ =	shalt  }
0x45: {  	_ =	shalt  }
0x46: {  	_ =	shalt  }
0x47: {  	_ =	shalt  }
0x48: {  	_ =	shalt  }
0x49: {  	_ =	shalt  }
0x4a: {  	_ =	shalt  }
0x4b: {  	_ =	shalt  }
0x4c: {  	_ =	shalt  }
0x4d: {  	_ =	shalt  }
0x4e: {  	_ =	shalt  }
0x4f: {  	_ =	shalt  }
0x50: {  	_ =	shalt  }
0x51: {  	_ =	shalt  }
0x52: {  	_ =	shalt  }
0x53: {  	_ =	shalt  }
0x54: {  	_ =	shalt  }
0x55: {  	_ =	shalt  }
0x56: {  	_ =	shalt  }
0x57: {  	_ =	shalt  }
0x58: {  	_ =	shalt  }
0x59: {  	_ =	shalt  }
0x5a: {  	_ =	shalt  }
0x5b: {  	_ =	shalt  }
0x5c: {  	_ =	shalt  }
0x5d: {  	_ =	shalt  }
0x5e: {  	_ =	shalt  }
0x5f: {  	_ =	shalt  }
0x60: {  	_ =	shalt  }
0x61: {  	_ =	shalt  }
0x62: {  	_ =	shalt  }
0x63: {  	_ =	shalt  }
0x64: {  	_ =	shalt  }
0x65: {  	_ =	shalt  }
0x66: {  	_ =	shalt  }
0x67: {  	_ =	shalt  }
0x68: {  	_ =	shalt  }
0x69: {  	_ =	shalt  }
0x6a: {  	_ =	shalt  }
0x6b: {  	_ =	shalt  }
0x6c: {  	_ =	shalt  }
0x6d: {  	_ =	shalt  }
0x6e: {  	_ =	shalt  }
0x6f: {  	_ =	shalt  }
0x70: {  	_ =	shalt  }
0x71: {  	_ =	shalt  }
0x72: {  	_ =	shalt  }
0x73: {  	_ =	shalt  }
0x74: {  	_ =	shalt  }
0x75: {  	_ =	shalt  }
0x76: {  	_ =	shalt  }
0x77: {  	_ =	shalt  }
0x78: {  	_ =	shalt  }
0x79: {  	_ =	shalt  }
0x7a: {  	_ =	shalt  }
0x7b: {  	_ =	shalt  }
0x7c: {  	_ =	shalt  }
0x7d: {  	_ =	shalt  }
0x7e: {  	_ =	shalt  }
0x7f: {  	_ =	shalt  }
0x80: {  	_ =	shalt  }
0x81: {  	_ =	shalt  }
0x82: {  	_ =	shalt  }
0x83: {  	_ =	shalt  }
0x84: {  	_ =	shalt  }
0x85: {  	_ =	shalt  }
0x86: {  	_ =	shalt  }
0x87: {  	_ =	shalt  }
.Lfunc_end0:
.L_simem_size_0:
called_computation_lowered:
.L_overlay_start_0:
0x88: {  	s2 =	sld [smem:$0x3FD9]  }
0x89: {  	s3 =	sld [smem:$0x3FFE];
	_ =	sdelay $0x1  }
0x8a: {  	s1 =	srdreg.scid  }
0x8b: {  	s0 =	sand.u32 $0x1, s1  }
0x8c: {  	s17 =	sshll.u32 s0, $0xA;
	s2 =	sadd.s32 s3, s2  }
0x8d: {  	s2 =	sadd.s32 s2, s17  }
0x8e: {  	[smem:$0x3FC6] =	sst s2  }
0x8f: {  	_ = 	snop  }
0x90: {  	s2 =	sld [smem:$0x3FC8];
	(tm) =	ssettm $0x1  }
0x91: {  	s18 =	sld [smem:$0x3FFB];
	_ =	sdelay $0x3  }
0x92: {  	_ =	strace s18  }
0x93: {  	s3 =	sld [smem:$0x3FFC];
	_ =	sdelay $0x3  }
0x94: {  	_ =	strace s3  }
0x95: {  	s3 =	sld [smem:$0x3FFD];
	_ =	sdelay $0x3  }
0x96: {  	_ =	strace s3  }
0x97: {  	_ =	strace $0x8FFFFFFF  }
0x98: {  	s19 =	sld [smem:$0x3FDB];
	_ =	sdelay $0x1  }
0x99: {  	s4 =	simm.s32 $_scs_section_size  }
0x9a: {  	s5 =	simm.s32 $_size__tile_overlayer_lowered;
	s6 =	simm.s32 $_tile_overlayer_lowered  }
0x9b: {  	s22 =	simm.s32 $0x1BFF;
	s21 =	sshll.u32 s6, $0x1;
	s3 =	sadd.s32 s4, s19  }
0x9c: {  	s7 =	simm.s32 $0x0;
	s20 =	sshll.u32 s5, $0x1;
	s5 =	sadd.s32 s21, s3  }
0x9d: {  	[timem:s7], [sflag:s22] =	dma.local [hbm:s5], s20  }
0x9e: {  	_ =	swait.ge [sflag:s22], s20  }
0x9f: {  	s4 =	ssub.s32 $0x0, s20;
	[sflag:s22] =	ssyncset.done $0x0  }
0xa0: {  	[sflag:s22] =	ssyncadd.s32 s4;
	_ =	sdelay $0x1  }
0xa1: {  	s23 =	simm.s32 $0x1B8B  }
0xa2: {  	_ =	swait.ge [sflag:s23], $0x1  }
0xa3: {  	[sflag:s23] =	ssyncset.done $0x0  }
0xa4: {  	s25 =	simm.s32 $0x1B8E;
	s24 =	sld [smem:$0x3FFE];
	[sflag:s23] =	ssyncadd.s32 $0xFFFFFFFF  }
0xa5: {  	s26 =	simm.s32 $execute0_lowered;
	[smem:$0x3FD2] =	sst s25  }
0xa6: {  	s5 =	sshll.u32 s26, $0x1;
	_ =	strace $0x80000046;
	[dreg:$0x1] =	wrdreg $0xFFFFFFFF  }
0xa7: {  	s28 =	simm.s32 $_size_execute0_lowered;
	s3 =	sadd.s32 s3, s5;
	[dreg:$0x0] =	wrdreg $0x0  }
0xa8: {  	s5 =	sshll.u32 s28, $0x1;
	[dreg:$0x2] =	wrdreg s3  }
0xa9: {  	[dreg:$0x3] =	wrdreg s5  }
0xaa: {  	[dreg:$0x4] =	wrdreg $0xC0  }
0xab: {  	_ =	task [dreg:s7], $0x5FFFF  }
0xac: {  	[dreg:$0x1] =	wrdreg $0xFFFFFFFF  }
0xad: {  	[dreg:$0x0] =	wrdreg $0x60  }
0xae: {  	[dreg:$0x2] =	wrdreg s24  }
0xaf: {  	[dreg:$0x3] =	wrdreg s2  }
0xb0: {  	[dreg:$0x4] =	wrdreg $0x9  }
0xb1: {  	_ =	task.clear_ibuf [dreg:s7], $0x5FFFF;
	_ =	strace $0x90000046  }
0xb2: {  	s29 =	simm.s32 $0x9;
	_ =	strace $0x80000048  }
0xb3: {  	_ =	swait.ge [sflag:s29], $0x1  }
0xb4: {  	[sflag:s29] =	ssyncadd.s32 $0xFFFFFFFF  }
0xb5: {  	_ =	strace $0x90000048  }
0xb6: {  	_ =	sfence  }
0xb7: {  	s30 =	sld [smem:$0x0];
	_ =	sdelay $0x2  }
0xb8: {  	s31 =	sshll.u32 s1, $0xD;
	s1 =	sshrl.u32 s1, $0x2  }
0xb9: {  	s3 =	sand.u32 $0x4000, s31;
	s1 =	sadd.s32 s1, s30  }
0xba: {  	s0 =	sor.u32 s3, s0;
	s1 =	sshll.u32 s1, $0x11  }
0xbb: {  	s0 =	sor.u32 s1, s0  }
0xbc: {  	s0 =	sadd.s32 $0x8F2B, s0  }
0xbd: {  	[sflag:s0] =	ssyncadd.remote.s32 $0x1  }
0xbe: {  	_ =	sfence.sel $0xFFFF  }
0xbf: {  	[dreg:$0x0] =	wrdreg $0xFFFFFFFF;
	(pc) =	sbr.abs _section_cstart, $3  }
0xc0: {  	[dreg:$0x1] =	wrdreg $0xFFFFFFFF  }
0xc1: {  	_ =	task.clear_ibuf [dreg:s7], $0x2FFFF;
	_ =	strace $0x9FFFFFFF  }
0xc2: {  	(tm) =	ssettm $0x7FFFFFFF  }
0xc3: {  	_ =	shalt  }
tec
execute0_lowered:
.L_overlay_start_1:
0x0: {  	(tag) =	ssettag $0x1  }
0x1: {  	s1 =	srdreg.scid;
	s5 =	rddreg [dreg:$0x0]  }
0x2: {  	s0 =	stileid.u32;
	s2 =	rddreg [dreg:$0x1];
	s3 =	simm.s32 $0x0  }
0x3: {  	s9 =	simm.s32 $0x2780;
	s10 =	simm.s32 $0x50;
	s11 =	simm.s32 $0x4F00  }
0x4: {  	s12 =	simm.s32 $0x7700;
	s13 =	simm.s32 $0x1;
	s14 =	simm.s32 $0x2  }
0x5: {  	s15 =	simm.s32 $0x9F00;
	s4 =	sand.u32 $0x1, s1;
	s31 =	sshll.u32 s0, $0x1  }
0x6: {  	s16 =	simm.s32 $0xA400;
	s17 =	simm.s32 $0x0;
	s1 =	sor.u32 s4, s31  }
0x7: {  	[smem:$0x7FF] =	sst s3;
	s7 =	ssub.s32 $0x2, s4;
	s6 =	smul.u32 $0x4E2, s1  }
0x8: {  	s1 =	rddreg [dreg:$0x2];
	s8 =	sshrl.u32 s7, $0x1;
	_ =	strace $0x80000047  }
0x9: {  	v0 =	vlaneseq.u32;
	s7 =	ssub.s32 s7, s8;
	s8 =	simm.s32 $0x3;
	s4 =	sadd.s32 s5, s6  }
0xa: {  	v0 =	vmul.u32 $0x10, v0;
	s7 =	smax.u32 s7, $0x1;
	s5 =	sadd.s32 $0x9E00, s4;
	s6 =	sadd.s32 $0x13C00, s4  }
.LBB2_1:
0xb: {  	[tilespmem:s3], [sflag:$0x3] =	stream.linear.gather [hbm4b:s5+s3], $0x2710, $0x38;
	[tilespmem:$0xCB80] =	vst v63  }
0xc: {  	_ =	swait.ge [sflag:s8], $0x2710  }
0xd: {  	[sflag:s8] =	ssyncset.done $0x0  }
0xe: {  	[sflag:s8] =	ssyncadd.s32 $0xFFFFD8F0  }
0xf: {  	[tilespmem:s9], [sflag:$0x3] =	stream.linear.gather [hbm4b:s4+s3], $0x2710, $0x38;
	[tilespmem:$0xCB80] =	vst v63  }
0x10: {  	_ =	swait.ge [sflag:s8], $0x2710  }
0x11: {  	[sflag:s8] =	ssyncset.done $0x0  }
0x12: {  	s18 =	simm.s32 $0xA400;
	s19 =	simm.s32 $0x0;
	[sflag:s8] =	ssyncadd.s32 $0xFFFFD8F0  }
.LBB2_2:
0x13: {  	s20 =	smul.u32 $0x50, s19;
	_ =	sdelay $0x1  }
0x14: {  	[tilespmem:s11], [sflag:$0x1] =	stream.indirect.gather [hbm4b:s2+s10], $0x80, s20, s10, $0xb8;
	[tilespmem:$0xCB80] =	vst v63  }
0x15: {  	s20 =	sadd.s32 $0x2780, s20  }
0x16: {  	[tilespmem:s12], [sflag:$0x2] =	stream.indirect.gather [hbm4b:s2+s10], $0x80, s20, s10, $0xb8;
	[tilespmem:$0xCB80] =	vst v63  }
0x17: {  	_ =	swait.ge [sflag:s13], $0x2800  }
0x18: {  	[sflag:s13] =	ssyncset.done $0x0  }
0x19: {  	[sflag:s13] =	ssyncadd.s32 $0xFFFFD800  }
0x1a: {  	_ =	swait.ge [sflag:s14], $0x2800  }
0x1b: {  	[sflag:s14] =	ssyncset.done $0x0  }
0x1c: {  	s31 =	simm.s32 $0x0;
	[sflag:s14] =	ssyncadd.s32 $0xFFFFD800  }
0x1d: {  	v1 =	vld [tilespmem:s31+$0x7700]  }
0x1e: {  	v2 =	vld [tilespmem:s31+$0x4F00]  }
0x1f: {  	v3 =	vld [tilespmem:s31+$0x4F10]  }
0x20: {  	v4 =	vld [tilespmem:s31+$0x7710]  }
0x21: {  	v5 =	vld [tilespmem:s31+$0x4F20]  }
0x22: {  	v6 =	vld [tilespmem:s31+$0x7720]  }
0x23: {  	v7 =	vld [tilespmem:s31+$0x7730];
	v1 =	vmul.f32 v1, v2  }
0x24: {  	v2 =	vld [tilespmem:s31+$0x4F30]  }
0x25: {  	v58 =	vld [tilespmem:s31+$0x4F40];
	v3 =	vmul.f32 v4, v3;
	v1 =	vadd.f32 $0.0e+00, v1  }
0x26: {  	v8 =	vld [tilespmem:s31+$0x7740]  }
0x27: {  	v59 =	vld [tilespmem:s31+$0x4F50];
	v1 =	vadd.f32 v3, v1;
	v3 =	vmul.f32 v6, v5  }
0x28: {  	v60 =	vld [tilespmem:s31+$0x7750]  }
0x29: {  	v61 =	vld [tilespmem:s31+$0x7760];
	v2 =	vmul.f32 v7, v2;
	v1 =	vadd.f32 v3, v1  }
0x2a: {  	v3 =	vld [tilespmem:s31+$0x4F60]  }
0x2b: {  	v62 =	vld [tilespmem:s31+$0x4F70];
	v1 =	vadd.f32 v2, v1;
	v2 =	vmul.f32 v8, v58  }
0x2c: {  	v63 =	vld [tilespmem:s31+$0x7770]  }
0x2d: {  	v1 =	vadd.f32 v2, v1;
	v2 =	vmul.f32 v60, v59;
	_ =	sdelay $0x1  }
0x2e: {  	v1 =	vadd.f32 v2, v1;
	v2 =	vmul.f32 v61, v3;
	_ =	sdelay $0x1  }
0x2f: {  	v1 =	vadd.f32 v2, v1;
	v2 =	vmul.f32 v63, v62;
	_ =	sdelay $0x1  }
0x30: {  	v1 =	vadd.f32 v2, v1  }
0x31: {  	s20 =	simm.s32 $0x9F00  }
0x32: {  	s22 =	simm.s32 $0x80;
	[tilespmem:s20+$0x0] =	vst v1  }
0x33: {  	s21 =	simm.s32 $0x0;
	s23 =	simm.s32 $0x400;
	v1 =	vld [tilespmem:s22+$0x7700]  }
.LBB2_3:
0x34: {  	p0 =	sne.s32 s23, $0x9E00;
	v2 =	vld [tilespmem:s22+$0x4F00]  }
0x35: {  	v3 =	vld [tilespmem:s22+$0x4F10]  }
0x36: {  	v4 =	vld [tilespmem:s22+$0x7710]  }
0x37: {  	v5 =	vld [tilespmem:s22+$0x4F20]  }
0x38: {  	v6 =	vld [tilespmem:s22+$0x7720]  }
0x39: {  	v1 =	vmul.f32 v1, v2;
	v2 =	vld [tilespmem:s22+$0x4F30]  }
0x3a: {  	v7 =	vld [tilespmem:s22+$0x7730]  }
0x3b: {  	v1 =	vadd.f32 $0.0e+00, v1;
	v3 =	vmul.f32 v4, v3;
	v4 =	vld [tilespmem:s22+$0x4F40]  }
0x3c: {  	v8 =	vld [tilespmem:s22+$0x7740]  }
0x3d: {  	v1 =	vadd.f32 v3, v1;
	v3 =	vmul.f32 v6, v5;
	v5 =	vld [tilespmem:s22+$0x4F50]  }
0x3e: {  	v6 =	vld [tilespmem:s22+$0x7750]  }
0x3f: {  	v1 =	vadd.f32 v3, v1;
	v2 =	vmul.f32 v7, v2;
	v3 =	vld [tilespmem:s22+$0x4F60]  }
0x40: {  	v7 =	vld [tilespmem:s22+$0x7760]  }
0x41: {  	v1 =	vadd.f32 v2, v1;
	v2 =	vmul.f32 v8, v4;
	v4 =	vld [tilespmem:s22+$0x4F70]  }
0x42: {  	v8 =	vld [tilespmem:s22+$0x7770]  }
0x43: {  	v1 =	vadd.f32 v2, v1;
	v2 =	vmul.f32 v6, v5;
	_ =	sdelay $0x1  }
0x44: {  	v1 =	vadd.f32 v2, v1;
	v2 =	vmul.f32 v7, v3;
	_ =	sdelay $0x1  }
0x45: {  	v1 =	vadd.f32 v2, v1;
	v2 =	vmul.f32 v8, v4  }
.Ltmp0:
0x46: {  	(pc) =	sbr.rel @p0 .LBB2_3-.Ltmp0, $4  }
0x47: {  	v1 =	vadd.f32 v2, v1  }
0x48: {  	s20 =	sadd.s32 $0x10, s20  }
0x49: {  	s22 =	sshra.s32 s23, $0x2;
	[tilespmem:s20+$0x0] =	vst v1  }
0x4a: {  	s23 =	sadd.s32 $0x200, s23;
	v1 =	vld [tilespmem:s22+$0x7700]  }
0x4b: {  	v2 =	vld [tilespmem:s22+$0x4F00]  }
0x4c: {  	v3 =	vld [tilespmem:s22+$0x4F10]  }
0x4d: {  	v4 =	vld [tilespmem:s22+$0x7710]  }
0x4e: {  	v5 =	vld [tilespmem:s22+$0x4F20]  }
0x4f: {  	v6 =	vld [tilespmem:s22+$0x7720]  }
0x50: {  	v7 =	vld [tilespmem:s22+$0x7730];
	v1 =	vmul.f32 v1, v2  }
0x51: {  	v2 =	vld [tilespmem:s22+$0x4F30]  }
0x52: {  	v8 =	vld [tilespmem:s22+$0x7740];
	v3 =	vmul.f32 v4, v3;
	v1 =	vadd.f32 $0.0e+00, v1  }
0x53: {  	v4 =	vld [tilespmem:s22+$0x4F40]  }
0x54: {  	v1 =	vadd.f32 v3, v1;
	v3 =	vmul.f32 v6, v5;
	v5 =	vld [tilespmem:s22+$0x4F50]  }
0x55: {  	v6 =	vld [tilespmem:s22+$0x7750]  }
0x56: {  	v2 =	vmul.f32 v7, v2;
	v7 =	vld [tilespmem:s22+$0x7760];
	v1 =	vadd.f32 v3, v1  }
0x57: {  	v3 =	vld [tilespmem:s22+$0x4F60]  }
0x58: {  	v57 =	vld [tilespmem:s22+$0x7770];
	v1 =	vadd.f32 v2, v1;
	v2 =	vmul.f32 v8, v4  }
0x59: {  	v4 =	vld [tilespmem:s22+$0x4F70]  }
0x5a: {  	v1 =	vadd.f32 v2, v1;
	v2 =	vmul.f32 v6, v5;
	_ =	sdelay $0x1  }
0x5b: {  	v1 =	vadd.f32 v2, v1;
	v2 =	vmul.f32 v7, v3;
	v3 =	vmov s21  }
0x5c: {  	v3 =	vshll.u32 v3, $0x4  }
0x5d: {  	v1 =	vadd.f32 v2, v1;
	v2 =	vmul.f32 v57, v4;
	v3 =	vor.u32 v0, v3;
	_ =	sdelay $0x1  }
0x5e: {  	v1 =	vadd.f32 v2, v1;
	v2 =	vor.u32 $0x1, v3  }
0x5f: {  	s20 =	sadd.s32 $0x10, s20  }
0x60: {  	[tilespmem:s20+$0x0] =	vst v1;
	v1 =	vor.u32 $0x2, v3  }
0x61: {  	v4 =	vld.idx.msk [tilespmem:v3+s15+$0x0], $0xffff  }
0x62: {  	v5 =	vor.u32 $0x3, v3  }
0x63: {  	v2 =	vld.idx.msk [tilespmem:v2+s15+$0x0], $0xffff  }
0x64: {  	v6 =	vor.u32 $0x4, v3  }
0x65: {  	v1 =	vld.idx.msk [tilespmem:v1+s15+$0x0], $0xffff  }
0x66: {  	v7 =	vor.u32 $0x5, v3;
	v4 =	vadd.f32 $0.0e+00, v4  }
0x67: {  	v5 =	vld.idx.msk [tilespmem:v5+s15+$0x0], $0xffff  }
0x68: {  	v58 =	vor.u32 $0x6, v3;
	v2 =	vadd.f32 v2, v4  }
0x69: {  	v4 =	vld.idx.msk [tilespmem:v6+s15+$0x0], $0xffff  }
0x6a: {  	v6 =	vor.u32 $0x7, v3;
	v1 =	vadd.f32 v1, v2  }
0x6b: {  	v2 =	vld.idx.msk [tilespmem:v7+s15+$0x0], $0xffff  }
0x6c: {  	v7 =	vor.u32 $0x8, v3;
	v1 =	vadd.f32 v5, v1  }
0x6d: {  	v5 =	vld.idx.msk [tilespmem:v58+s15+$0x0], $0xffff  }
0x6e: {  	v59 =	vor.u32 $0x9, v3;
	v1 =	vadd.f32 v4, v1  }
0x6f: {  	v4 =	vld.idx.msk [tilespmem:v6+s15+$0x0], $0xffff  }
0x70: {  	v6 =	vor.u32 $0xA, v3;
	v1 =	vadd.f32 v2, v1  }
0x71: {  	v2 =	vld.idx.msk [tilespmem:v7+s15+$0x0], $0xffff  }
0x72: {  	v7 =	vor.u32 $0xB, v3;
	v1 =	vadd.f32 v5, v1  }
0x73: {  	v5 =	vld.idx.msk [tilespmem:v59+s15+$0x0], $0xffff  }
0x74: {  	v60 =	vor.u32 $0xC, v3;
	v1 =	vadd.f32 v4, v1  }
0x75: {  	v4 =	vld.idx.msk [tilespmem:v6+s15+$0x0], $0xffff  }
0x76: {  	v6 =	vor.u32 $0xD, v3;
	v1 =	vadd.f32 v2, v1  }
0x77: {  	v2 =	vld.idx.msk [tilespmem:v7+s15+$0x0], $0xffff  }
0x78: {  	v7 =	vor.u32 $0xE, v3;
	v1 =	vadd.f32 v5, v1  }
0x79: {  	v5 =	vld.idx.msk [tilespmem:v60+s15+$0x0], $0xffff  }
0x7a: {  	v3 =	vor.u32 $0xF, v3;
	v1 =	vadd.f32 v4, v1  }
0x7b: {  	v4 =	vld.idx.msk [tilespmem:v6+s15+$0x0], $0xffff  }
0x7c: {  	v1 =	vadd.f32 v2, v1  }
0x7d: {  	v2 =	vld.idx.msk [tilespmem:v7+s15+$0x0], $0xffff  }
0x7e: {  	v1 =	vadd.f32 v5, v1  }
0x7f: {  	s30 =	simm.s32 $0x10;
	v3 =	vld.idx.msk [tilespmem:v3+s15+$0x0], $0xffff  }
0x80: {  	v5 =	vmov s30;
	v1 =	vadd.f32 v4, v1  }
0x81: {  	v4 =	vshll.u32 v5, $0x4  }
0x82: {  	v4 =	vor.u32 v0, v4;
	v1 =	vadd.f32 v2, v1;
	_ =	sdelay $0x1  }
0x83: {  	v2 =	vor.u32 $0x1, v4;
	v1 =	vadd.f32 v3, v1;
	_ =	sdelay $0x1  }
0x84: {  	v3 =	vor.u32 $0x2, v4;
	[tilespmem:s18+$0x0] =	vst v1  }
0x85: {  	v1 =	vld.idx.msk [tilespmem:v4+s15+$0x0], $0xffff  }
0x86: {  	v5 =	vor.u32 $0x3, v4  }
0x87: {  	v2 =	vld.idx.msk [tilespmem:v2+s15+$0x0], $0xffff  }
0x88: {  	v6 =	vor.u32 $0x4, v4  }
0x89: {  	v3 =	vld.idx.msk [tilespmem:v3+s15+$0x0], $0xffff  }
0x8a: {  	v7 =	vor.u32 $0x5, v4;
	v1 =	vadd.f32 $0.0e+00, v1  }
0x8b: {  	v5 =	vld.idx.msk [tilespmem:v5+s15+$0x0], $0xffff  }
0x8c: {  	v61 =	vor.u32 $0x6, v4;
	v1 =	vadd.f32 v2, v1  }
0x8d: {  	v2 =	vld.idx.msk [tilespmem:v6+s15+$0x0], $0xffff  }
0x8e: {  	v6 =	vor.u32 $0x7, v4;
	v1 =	vadd.f32 v3, v1  }
0x8f: {  	v3 =	vld.idx.msk [tilespmem:v7+s15+$0x0], $0xffff  }
0x90: {  	v7 =	vor.u32 $0x8, v4;
	v1 =	vadd.f32 v5, v1  }
0x91: {  	v5 =	vld.idx.msk [tilespmem:v61+s15+$0x0], $0xffff  }
0x92: {  	v62 =	vor.u32 $0x9, v4;
	v1 =	vadd.f32 v2, v1  }
0x93: {  	v2 =	vld.idx.msk [tilespmem:v6+s15+$0x0], $0xffff  }
0x94: {  	v6 =	vor.u32 $0xA, v4;
	v1 =	vadd.f32 v3, v1  }
0x95: {  	v3 =	vld.idx.msk [tilespmem:v7+s15+$0x0], $0xffff  }
0x96: {  	v7 =	vor.u32 $0xB, v4;
	v1 =	vadd.f32 v5, v1  }
0x97: {  	v5 =	vld.idx.msk [tilespmem:v62+s15+$0x0], $0xffff  }
0x98: {  	v63 =	vor.u32 $0xC, v4;
	v1 =	vadd.f32 v2, v1  }
0x99: {  	v2 =	vld.idx.msk [tilespmem:v6+s15+$0x0], $0xffff  }
0x9a: {  	v6 =	vor.u32 $0xD, v4;
	v1 =	vadd.f32 v3, v1  }
0x9b: {  	v3 =	vld.idx.msk [tilespmem:v7+s15+$0x0], $0xffff  }
0x9c: {  	v7 =	vor.u32 $0xE, v4;
	v1 =	vadd.f32 v5, v1  }
0x9d: {  	v5 =	vld.idx.msk [tilespmem:v63+s15+$0x0], $0xffff  }
0x9e: {  	v4 =	vor.u32 $0xF, v4;
	v1 =	vadd.f32 v2, v1  }
0x9f: {  	v6 =	vld.idx.msk [tilespmem:v6+s15+$0x0], $0xffff  }
0xa0: {  	v1 =	vadd.f32 v3, v1  }
0xa1: {  	v2 =	vld.idx.msk [tilespmem:v7+s15+$0x0], $0xffff  }
0xa2: {  	v3 =	vadd.f32 v5, v1  }
0xa3: {  	s31 =	simm.s32 $0x20;
	v1 =	vld.idx.msk [tilespmem:v4+s15+$0x0], $0xffff  }
0xa4: {  	s21 =	simm.s32 $0x30;
	s20 =	smov.u32 s18;
	v4 =	vmov s31;
	v3 =	vadd.f32 v6, v3  }
.LBB2_5:
0xa5: {  	p0 =	sne.s32 s21, $0x40;
	v4 =	vshll.u32 v4, $0x4  }
0xa6: {  	v4 =	vor.u32 v0, v4;
	v2 =	vadd.f32 v2, v3;
	_ =	sdelay $0x1  }
0xa7: {  	v3 =	vor.u32 $0x1, v4;
	v1 =	vadd.f32 v1, v2  }
0xa8: {  	s20 =	sadd.s32 $0x10, s20  }
0xa9: {  	v2 =	vor.u32 $0x2, v4;
	[tilespmem:s20+$0x0] =	vst v1  }
0xaa: {  	v1 =	vld.idx.msk [tilespmem:v4+s15+$0x0], $0xffff  }
0xab: {  	v5 =	vor.u32 $0x3, v4  }
0xac: {  	v3 =	vld.idx.msk [tilespmem:v3+s15+$0x0], $0xffff  }
0xad: {  	v6 =	vor.u32 $0x4, v4  }
0xae: {  	v2 =	vld.idx.msk [tilespmem:v2+s15+$0x0], $0xffff  }
0xaf: {  	v7 =	vor.u32 $0x5, v4  }
0xb0: {  	v1 =	vadd.f32 $0.0e+00, v1;
	v5 =	vld.idx.msk [tilespmem:v5+s15+$0x0], $0xffff  }
0xb1: {  	v8 =	vor.u32 $0x6, v4  }
0xb2: {  	v1 =	vadd.f32 v3, v1;
	v3 =	vld.idx.msk [tilespmem:v6+s15+$0x0], $0xffff  }
0xb3: {  	v6 =	vor.u32 $0x7, v4  }
0xb4: {  	v1 =	vadd.f32 v2, v1;
	v2 =	vld.idx.msk [tilespmem:v7+s15+$0x0], $0xffff  }
0xb5: {  	v7 =	vor.u32 $0x8, v4  }
0xb6: {  	v1 =	vadd.f32 v5, v1;
	v5 =	vld.idx.msk [tilespmem:v8+s15+$0x0], $0xffff  }
0xb7: {  	v8 =	vor.u32 $0x9, v4  }
0xb8: {  	v1 =	vadd.f32 v3, v1;
	v3 =	vld.idx.msk [tilespmem:v6+s15+$0x0], $0xffff  }
0xb9: {  	v6 =	vor.u32 $0xA, v4  }
0xba: {  	v1 =	vadd.f32 v2, v1;
	v2 =	vld.idx.msk [tilespmem:v7+s15+$0x0], $0xffff  }
0xbb: {  	v7 =	vor.u32 $0xB, v4  }
0xbc: {  	v1 =	vadd.f32 v5, v1;
	v5 =	vld.idx.msk [tilespmem:v8+s15+$0x0], $0xffff  }
0xbd: {  	v8 =	vor.u32 $0xC, v4  }
0xbe: {  	v1 =	vadd.f32 v3, v1;
	v3 =	vld.idx.msk [tilespmem:v6+s15+$0x0], $0xffff  }
0xbf: {  	v6 =	vor.u32 $0xD, v4  }
0xc0: {  	v1 =	vadd.f32 v2, v1;
	v2 =	vld.idx.msk [tilespmem:v7+s15+$0x0], $0xffff  }
0xc1: {  	v7 =	vor.u32 $0xE, v4  }
0xc2: {  	v1 =	vadd.f32 v5, v1;
	v5 =	vld.idx.msk [tilespmem:v8+s15+$0x0], $0xffff  }
0xc3: {  	v4 =	vor.u32 $0xF, v4  }
0xc4: {  	v1 =	vadd.f32 v3, v1;
	v3 =	vld.idx.msk [tilespmem:v6+s15+$0x0], $0xffff;
	_ =	sdelay $0x1  }
.Ltmp1:
0xc5: {  	v1 =	vadd.f32 v2, v1;
	v2 =	vld.idx.msk [tilespmem:v7+s15+$0x0], $0xffff;
	(pc) =	sbr.rel @p0 .LBB2_5-.Ltmp1, $3  }
0xc6: {  	_ = 	snop  }
0xc7: {  	v5 =	vadd.f32 v5, v1;
	v1 =	vld.idx.msk [tilespmem:v4+s15+$0x0], $0xffff;
	_ =	sdelay $0x1  }
0xc8: {  	v4 =	vmov s21;
	s21 =	sadd.s32 $0x10, s21;
	v3 =	vadd.f32 v3, v5  }
0xc9: {  	v4 =	vshll.u32 v4, $0x4  }
0xca: {  	v4 =	vor.u32 v0, v4;
	v2 =	vadd.f32 v2, v3;
	_ =	sdelay $0x1  }
0xcb: {  	v3 =	vor.u32 $0x1, v4;
	v1 =	vadd.f32 v1, v2  }
0xcc: {  	s20 =	sadd.s32 $0x10, s20  }
0xcd: {  	v2 =	vor.u32 $0x2, v4;
	[tilespmem:s20+$0x0] =	vst v1  }
0xce: {  	v1 =	vld.idx.msk [tilespmem:v4+s15+$0x0], $0xffff  }
0xcf: {  	v5 =	vor.u32 $0x3, v4  }
0xd0: {  	v3 =	vld.idx.msk [tilespmem:v3+s15+$0x0], $0xffff  }
0xd1: {  	v6 =	vor.u32 $0x4, v4  }
0xd2: {  	v2 =	vld.idx.msk [tilespmem:v2+s15+$0x0], $0xffff  }
0xd3: {  	v7 =	vor.u32 $0x5, v4;
	v1 =	vadd.f32 $0.0e+00, v1  }
0xd4: {  	v5 =	vld.idx.msk [tilespmem:v5+s15+$0x0], $0xffff  }
0xd5: {  	v8 =	vor.u32 $0x6, v4;
	v1 =	vadd.f32 v3, v1  }
0xd6: {  	v3 =	vld.idx.msk [tilespmem:v6+s15+$0x0], $0xffff  }
0xd7: {  	v53 =	vor.u32 $0x7, v4;
	v1 =	vadd.f32 v2, v1  }
0xd8: {  	v2 =	vld.idx.msk [tilespmem:v7+s15+$0x0], $0xffff  }
0xd9: {  	v54 =	vor.u32 $0x8, v4;
	v1 =	vadd.f32 v5, v1  }
0xda: {  	v55 =	vld.idx.msk [tilespmem:v8+s15+$0x0], $0xffff  }
0xdb: {  	v56 =	vor.u32 $0x9, v4;
	v1 =	vadd.f32 v3, v1  }
0xdc: {  	v3 =	vld.idx.msk [tilespmem:v53+s15+$0x0], $0xffff  }
0xdd: {  	v57 =	vor.u32 $0xA, v4;
	v1 =	vadd.f32 v2, v1  }
0xde: {  	v2 =	vld.idx.msk [tilespmem:v54+s15+$0x0], $0xffff  }
0xdf: {  	v58 =	vor.u32 $0xB, v4;
	v1 =	vadd.f32 v55, v1  }
0xe0: {  	v59 =	vld.idx.msk [tilespmem:v56+s15+$0x0], $0xffff  }
0xe1: {  	v60 =	vor.u32 $0xC, v4;
	v1 =	vadd.f32 v3, v1  }
0xe2: {  	v3 =	vld.idx.msk [tilespmem:v57+s15+$0x0], $0xffff  }
0xe3: {  	v61 =	vor.u32 $0xD, v4;
	v1 =	vadd.f32 v2, v1  }
0xe4: {  	v2 =	vld.idx.msk [tilespmem:v58+s15+$0x0], $0xffff  }
0xe5: {  	v62 =	vor.u32 $0xE, v4;
	v1 =	vadd.f32 v59, v1  }
0xe6: {  	v63 =	vld.idx.msk [tilespmem:v60+s15+$0x0], $0xffff  }
0xe7: {  	v4 =	vor.u32 $0xF, v4;
	v1 =	vadd.f32 v3, v1  }
0xe8: {  	v3 =	vld.idx.msk [tilespmem:v61+s15+$0x0], $0xffff  }
0xe9: {  	v1 =	vadd.f32 v2, v1  }
0xea: {  	v2 =	vld.idx.msk [tilespmem:v62+s15+$0x0], $0xffff  }
0xeb: {  	v1 =	vadd.f32 v63, v1  }
0xec: {  	v4 =	vld.idx.msk [tilespmem:v4+s15+$0x0], $0xffff  }
0xed: {  	s19 =	sadd.s32 $0x1, s19;
	v1 =	vadd.f32 v3, v1  }
0xee: {  	p0 =	sne.s32 s19, $0x7D  }
.Ltmp2:
0xef: {  	v1 =	vadd.f32 v2, v1;
	(pc) =	sbr.rel @p0 .LBB2_2-.Ltmp2, $4  }
0xf0: {  	_ = 	snop  }
0xf1: {  	v1 =	vadd.f32 v4, v1  }
0xf2: {  	s20 =	sadd.s32 $0x10, s20  }
0xf3: {  	s18 =	sadd.s32 $0x50, s18;
	[tilespmem:s20+$0x0] =	vst v1  }
0xf4: {  	s17 =	sadd.s32 $0x1, s17  }
0xf5: {  	p0 =	sne.s32 s17, s7  }
.Ltmp3:
0xf6: {  	_ = 	snop;
	(pc) =	sbr.rel @p0 .LBB2_1-.Ltmp3, $4  }
0xf7: {  	[hbm4b:s6+s3] =	stream.linear.scatter [tilespmem:s16], [sflag:$0x3], $0x2710, $0x38;
	[tilespmem:$0xCB80] =	vst v63  }
0xf8: {  	_ =	swait.ge [sflag:s8], $0x2710  }
0xf9: {  	[sflag:s8] =	ssyncset.done $0x0  }
0xfa: {  	[sflag:s8] =	ssyncadd.s32 $0xFFFFD8F0  }
0xfb: {  	_ =	sfence.sel $0x180000  }
0xfc: {  	[bflag:$0x0] =	sbarrier.arrive $0xFFFF  }
0xfd: {  	p0 =	sne.s32 s0, $0x0;
	_ =	strace $0x90000047  }
0xfe: {  	s0 =	sadd.s32 @!p0 $0x100000, s1;
	[bflag:$0x2] =	sbarrier.arrive $0xFFFF  }
0xff: {  	[sflag:s0] =	ssyncadd.tile.s32 @!p0 $0x1;
	_ =	shalt  }
.Lfunc_end2:
_tile_overlayer_lowered:
.L_overlay_start_2:
0x100: {  	(tag) =	ssettag $0x2  }
0x101: {  	s0 =	rddreg [dreg:$0x0];
	s2 =	stileid.u32  }
0x102: {  	s1 =	rddreg [dreg:$0x1];
	p0 =	sne.s32 s2, $0x0  }
0x103: {  	s3 =	rddreg [dreg:$0x2];
	[bflag:$0x3] =	sbarrier.arrive $0xFFFF;
	s2 =	simm.s32 @!p0 $0x1C03  }
0x104: {  	[timem:s3], [sflag:s2] =	dma.local @!p0 [hbm:s0], s1  }
0x105: {  	s0 =	simm.s32 @!p0 $0x3  }
0x106: {  	_ =	swait.ge @!p0 [sflag:s0], s1  }
0x107: {  	s1 =	ssub.s32 @!p0 $0x0, s1;
	[sflag:s0] =	ssyncset.done @!p0 $0x0  }
0x108: {  	[sflag:s0] =	ssyncadd.s32 @!p0 s1  }
0x109: {  	[bflag:$0x3] =	sbarrier.arrive $0xFFFF  }
0x10a: {  	_ =	shalt  }

</sc_bundles>
